<compile_context>
chip_gen: v7x
topology: tpu7x:2x2x1
jax: 0.10.2.dev20260603
libtpu: 0.0.44.dev20260713+nightly
codegen_flags: <defaults>
</compile_context>

<pallas_src>
import functools

import jax
import jax.numpy as jnp
from jax import lax
from jax.experimental import pallas as pl
from jax.experimental.pallas import tpu as pltpu
from jax.experimental.pallas import tpu_sc as plsc

B = 4096
L = 50
LRA_IN = 240
H = 256
LRA_EMB = 128
NODE_DIM = 64
OUT_DIM = LRA_EMB + NODE_DIM
BB = 4096
PAIR = BB // 2


@functools.lru_cache(maxsize=None)
def _make_sc_gather():
    nc, ns = 2, 16
    nw = nc * ns
    bpw = B // nw
    mesh = plsc.VectorSubcoreMesh(core_axis_name="c", subcore_axis_name="s",
                                  num_cores=nc)

    @functools.partial(
        pl.kernel,
        mesh=mesh,
        compiler_params=pltpu.CompilerParams(use_tc_tiling_on_sc=False),
        out_type=jax.ShapeDtypeStruct((L, B // 2, 128), jnp.float32),
        scratch_types=[
            pltpu.VMEM((bpw,), jnp.int32),
            pltpu.VMEM((bpw, NODE_DIM), jnp.float32),
            pltpu.SemaphoreType.DMA,
        ],
    )
    def sc_gather(table_hbm, idst_hbm, out_hbm, idx_v, buf, gsem):
        wid = lax.axis_index("s") * nc + lax.axis_index("c")
        b0 = wid * bpw
        blk = b0 // BB
        within = b0 % BB
        col = jnp.where(within < PAIR, 0, NODE_DIM)
        row_c = blk * PAIR + within % PAIR

        def dst(l):
            return out_hbm.at[l, pl.ds(row_c, bpw), pl.ds(col, NODE_DIM)]

        def body(l, _):
            pltpu.sync_copy(idst_hbm.at[l, pl.ds(b0, bpw)], idx_v)
            pltpu.async_copy(table_hbm.at[idx_v], buf, gsem).wait()
            pltpu.sync_copy(buf, dst(l))
            return ()

        lax.fori_loop(0, L, body, (), unroll=False)

    return sc_gather


def _mlp_body(x_ref, w1t_ref, b1_ref, w2t_ref, b2_ref, o_ref):
    x = x_ref[0].astype(jnp.bfloat16)
    h = jnp.dot(w1t_ref[...], x, preferred_element_type=jnp.float32)
    h = h + b1_ref[...]
    h = h * jax.nn.sigmoid(h)
    y = jnp.dot(w2t_ref[...], h.astype(jnp.bfloat16),
                preferred_element_type=jnp.float32)
    o_ref[0] = y + b2_ref[...]


def _mlp_pass(xt, w1t, b1c, w2t, b2c):
    return pl.pallas_call(
        _mlp_body,
        grid=(L, B // BB),
        in_specs=[
            pl.BlockSpec((1, LRA_IN, BB), lambda l, j: (l, 0, j)),
            pl.BlockSpec((H, LRA_IN), lambda l, j: (0, 0)),
            pl.BlockSpec((H, 1), lambda l, j: (0, 0)),
            pl.BlockSpec((LRA_EMB, H), lambda l, j: (0, 0)),
            pl.BlockSpec((LRA_EMB, 1), lambda l, j: (0, 0)),
        ],
        out_specs=pl.BlockSpec((1, LRA_EMB, BB), lambda l, j: (l, 0, j)),
        out_shape=jax.ShapeDtypeStruct((L, OUT_DIM, B), jnp.float32),
    )(xt, w1t, b1c, w2t, b2c)


def _node_body(node_ref, alias_ref, o_ref):
    del alias_ref
    t = jnp.transpose(node_ref[0], (1, 0))
    o_ref[0] = jnp.concatenate([t[0:NODE_DIM, :], t[NODE_DIM:, :]], axis=1)


def _node_pass(node3d, outt):
    return pl.pallas_call(
        _node_body,
        grid=(L, B // BB),
        in_specs=[
            pl.BlockSpec((1, PAIR, 128), lambda l, j: (l, j, 0)),
            pl.BlockSpec(memory_space=pl.MemorySpace.ANY),
        ],
        out_specs=pl.BlockSpec((1, NODE_DIM, BB), lambda l, j: (l, 2, j)),
        out_shape=jax.ShapeDtypeStruct((L, OUT_DIM, B), jnp.float32),
        input_output_aliases={1: 0},
    )(node3d, outt)


def kernel(precomputed_lra_batch, nearest_node_ids, W1, b1, W2, b2,
           road_node_embeddings):
    xt = jnp.transpose(precomputed_lra_batch, (1, 2, 0))
    idst = jnp.transpose(nearest_node_ids, (1, 0)).astype(jnp.int32)
    idst = jnp.pad(idst, ((0, 6), (0, 0)))
    node3d = _make_sc_gather()(road_node_embeddings, idst)
    outt = _mlp_pass(xt, W1.T.astype(jnp.bfloat16), b1.reshape(H, 1),
                     W2.T.astype(jnp.bfloat16), b2.reshape(LRA_EMB, 1))
    outt = _node_pass(node3d, outt)
    return jnp.transpose(outt, (2, 0, 1))

# --- scband reference (transcript-rebuilt; emitter-appended) ---
"""Pipeline reference for scband-traj-fusion-context-module-35304631173786 (READ-ONLY COPY).

The authoritative reference and input builder live on the scoring server;
editing this copy changes nothing except your own understanding.
"""

import jax, jax.numpy as jnp
import numpy as np

B = 4096
L = 50
LRA_IN = 240          # num_nearest_roads_query (16) * 15
H = 256               # hidden dim of lra_encoder
LRA_EMB = 128         # lra_embed_dim
NUM_NODES = 100000    # road node vocab
NODE_DIM = 64         # node embedding dim


def setup_inputs(seed: int = 0) -> dict:
    key = jax.random.key(seed)
    ks = jax.random.split(key, 8)
    precomputed_lra_batch = jax.random.normal(ks[0], (B, L, LRA_IN), dtype=jnp.float32)
    nearest_node_ids = jax.random.randint(ks[1], (B, L), 0, NUM_NODES, dtype=jnp.int64)
    # lra_encoder params: Linear(240->256), SiLU, Linear(256->128)
    W1 = jax.random.normal(ks[2], (LRA_IN, H), dtype=jnp.float32) * (1.0 / np.sqrt(LRA_IN))
    b1 = jnp.zeros((H,), dtype=jnp.float32)
    W2 = jax.random.normal(ks[3], (H, LRA_EMB), dtype=jnp.float32) * (1.0 / np.sqrt(H))
    b2 = jnp.zeros((LRA_EMB,), dtype=jnp.float32)
    # global road node embedding table (loaded from disk in the torch module)
    road_node_embeddings = jax.random.normal(ks[4], (NUM_NODES, NODE_DIM), dtype=jnp.float32)
    return {
        "precomputed_lra_batch": precomputed_lra_batch,
        "nearest_node_ids": nearest_node_ids,
        "W1": W1, "b1": b1, "W2": W2, "b2": b2,
        "road_node_embeddings": road_node_embeddings,
    }


def reference(precomputed_lra_batch, nearest_node_ids, W1, b1, W2, b2, road_node_embeddings):
    # lra_encoder: Linear -> SiLU -> Linear
    h = jnp.dot(precomputed_lra_batch, W1) + b1
    h = jax.nn.silu(h)
    lra_embed = jnp.dot(h, W2) + b2                      # [B, L, 128]
    # embedding lookup (gather)
    node_embed = jnp.take(road_node_embeddings, nearest_node_ids, axis=0)  # [B, L, 64]
    return jnp.concatenate([lra_embed, node_embed], axis=-1)  # [B, L, 192]

if __name__ == "__main__":
    import jax
    _d = setup_inputs()
    print(jax.jit(kernel)(*tuple(_d.values())))

</pallas_src>

<mosaic_0001>
#map = affine_map<(d0, d1) -> (0, 0)>
#map1 = affine_map<(d0, d1) -> (0, 0, 0)>
module attributes {stable_mosaic.version = 14 : i64} {
  func.func @sc_gather(%arg0: i32, %arg1: i32, %arg2: memref<100000x64xf32, #tpu.memory_space<hbm>>, %arg3: memref<56x4096xi32, #tpu.memory_space<hbm>>, %arg4: memref<50x2048x128xf32, #tpu.memory_space<hbm>>, %arg5: memref<128xi32, #tpu.memory_space<vmem>>, %arg6: memref<128x64xf32, #tpu.memory_space<vmem>>, %arg7: memref<!tpu.dma_semaphore, #tpu.memory_space<semaphore_mem>>) attributes {dimension_semantics = [#tpu.dimension_semantics<core_parallel>, #tpu.dimension_semantics<subcore_parallel>], iteration_bounds = array<i64: 2, 16>, scalar_prefetch = 0 : i64, scratch_operands = 3 : i64, tpu.core_type = #tpu.core_type<sc_vector_subcore>, window_params = [{transform_indices = #map}, {transform_indices = #map}, {transform_indices = #map1}]} {
    %mul3A = arith.constant 2 : i32
    %mul3A_0 = arith.muli %arg1, %mul3A : i32
    %add3A = arith.addi %mul3A_0, %arg0 : i32
    %mul3A_1 = arith.constant 128 : i32
    %mul3A_2 = arith.muli %add3A, %mul3A_1 : i32
    %jit3A = arith.constant 4096 : i32
    %div3A = arith.divsi %mul3A_2, %jit3A : i32
    %sign3A = arith.constant 0 : i32
    %sign3A_3 = arith.cmpi sgt, %mul3A_2, %sign3A : i32
    %sign3A_4 = arith.extui %sign3A_3 : i1 to i32
    %sign3A_5 = arith.constant 0 : i32
    %sign3A_6 = arith.cmpi slt, %mul3A_2, %sign3A_5 : i32
    %sign3A_7 = arith.extui %sign3A_6 : i1 to i32
    %sign3A_8 = arith.subi %sign3A_4, %sign3A_7 : i32
    %sign3A_9 = arith.constant 0 : i32
    %sign3A_10 = arith.cmpi sgt, %jit3A, %sign3A_9 : i32
    %sign3A_11 = arith.extui %sign3A_10 : i1 to i32
    %sign3A_12 = arith.constant 0 : i32
    %sign3A_13 = arith.cmpi slt, %jit3A, %sign3A_12 : i32
    %sign3A_14 = arith.extui %sign3A_13 : i1 to i32
    %sign3A_15 = arith.subi %sign3A_11, %sign3A_14 : i32
    %ne3A = arith.cmpi ne, %sign3A_8, %sign3A_15 : i32
    %rem3A = arith.remsi %mul3A_2, %jit3A : i32
    %ne3A_16 = arith.constant 0 : i32
    %ne3A_17 = arith.cmpi ne, %rem3A, %ne3A_16 : i32
    %and3A = arith.andi %ne3A, %ne3A_17 : i1
    %sub3A = arith.constant 1 : i32
    %sub3A_18 = arith.subi %div3A, %sub3A : i32
    %select_n3A = arith.select %and3A, %sub3A_18, %div3A : i32
    %jit3A_19 = arith.constant 4096 : i32
    %eq3A = arith.constant 0 : i32
    %eq3A_20 = arith.cmpi eq, %jit3A_19, %eq3A : i32
    %jit3A_21 = arith.constant 1 : i32
    %select_n3A_22 = arith.select %eq3A_20, %jit3A_21, %jit3A_19 : i32
    %rem3A_23 = arith.remsi %mul3A_2, %select_n3A_22 : i32
    %ne3A_24 = arith.constant 0 : i32
    %ne3A_25 = arith.cmpi ne, %rem3A_23, %ne3A_24 : i32
    %lt3A = arith.constant 0 : i32
    %lt3A_26 = arith.cmpi slt, %rem3A_23, %lt3A : i32
    %lt3A_27 = arith.constant 0 : i32
    %lt3A_28 = arith.cmpi slt, %select_n3A_22, %lt3A_27 : i32
    %ne3A_29 = arith.xori %lt3A_26, %lt3A_28 : i1
    %and3A_30 = arith.andi %ne3A_29, %ne3A_25 : i1
    %add3A_31 = arith.addi %rem3A_23, %select_n3A_22 : i32
    %select_n3A_32 = arith.select %and3A_30, %add3A_31, %rem3A_23 : i32
    %lt3A_33 = arith.constant 2048 : i32
    %lt3A_34 = arith.cmpi slt, %select_n3A_32, %lt3A_33 : i32
    %jit3A_35 = arith.constant 0 : i32
    %jit3A_36 = arith.constant 64 : i32
    %select_n3A_37 = arith.select %lt3A_34, %jit3A_35, %jit3A_36 : i32
    %mul3A_38 = arith.constant 2048 : i32
    %mul3A_39 = arith.muli %select_n3A, %mul3A_38 : i32
    %jit3A_40 = arith.constant 2048 : i32
    %eq3A_41 = arith.constant 0 : i32
    %eq3A_42 = arith.cmpi eq, %jit3A_40, %eq3A_41 : i32
    %jit3A_43 = arith.constant 1 : i32
    %select_n3A_44 = arith.select %eq3A_42, %jit3A_43, %jit3A_40 : i32
    %rem3A_45 = arith.remsi %select_n3A_32, %select_n3A_44 : i32
    %ne3A_46 = arith.constant 0 : i32
    %ne3A_47 = arith.cmpi ne, %rem3A_45, %ne3A_46 : i32
    %lt3A_48 = arith.constant 0 : i32
    %lt3A_49 = arith.cmpi slt, %rem3A_45, %lt3A_48 : i32
    %lt3A_50 = arith.constant 0 : i32
    %lt3A_51 = arith.cmpi slt, %select_n3A_44, %lt3A_50 : i32
    %ne3A_52 = arith.xori %lt3A_49, %lt3A_51 : i1
    %and3A_53 = arith.andi %ne3A_52, %ne3A_47 : i1
    %add3A_54 = arith.addi %rem3A_45, %select_n3A_44 : i32
    %select_n3A_55 = arith.select %and3A_53, %add3A_54, %rem3A_45 : i32
    %add3A_56 = arith.addi %mul3A_39, %select_n3A_55 : i32
    %scan3A = arith.constant 0 : i32
    %scan3A_57 = arith.constant 50 : i32
    %scan3A_58 = arith.addi %scan3A, %scan3A_57 : i32
    %scan3A_59 = arith.constant 1 : i32
    scf.for %scan3A_61 = %scan3A to %scan3A_58 step %scan3A_59  : i32 {
      "tpu.region"() ({
        %run_scoped3A = tpu.sem_alloc : memref<!tpu.dma_semaphore, #tpu.memory_space<semaphore_mem>>
        %dma_start3A_66 = tpu.memref_slice %arg3[%scan3A_61, %mul3A_2] : memref<56x4096xi32, #tpu.memory_space<hbm>> -> memref<1x128xi32, #tpu.memory_space<hbm>>
        %dma_start3A_67 = tpu.memref_squeeze %dma_start3A_66 : memref<1x128xi32, #tpu.memory_space<hbm>> -> memref<128xi32, #tpu.memory_space<hbm>>
        %dma_start3A_68 = tpu.memref_slice %arg3[%scan3A_61, %mul3A_2] : memref<56x4096xi32, #tpu.memory_space<hbm>> -> memref<1x128xi32, #tpu.memory_space<hbm>>
        %dma_start3A_69 = tpu.memref_squeeze %dma_start3A_68 : memref<1x128xi32, #tpu.memory_space<hbm>> -> memref<128xi32, #tpu.memory_space<hbm>>
        tpu.enqueue_dma source(%dma_start3A_69 : memref<128xi32, #tpu.memory_space<hbm>>) target(%arg5 : memref<128xi32, #tpu.memory_space<vmem>>) target_semaphore(%run_scoped3A : memref<!tpu.dma_semaphore, #tpu.memory_space<semaphore_mem>>)
        %dma_wait3A_70 = tpu.memref_slice %arg3[%scan3A_61, %mul3A_2] : memref<56x4096xi32, #tpu.memory_space<hbm>> -> memref<1x128xi32, #tpu.memory_space<hbm>>
        %dma_wait3A_71 = tpu.memref_squeeze %dma_wait3A_70 : memref<1x128xi32, #tpu.memory_space<hbm>> -> memref<128xi32, #tpu.memory_space<hbm>>
        %dma_wait3A_72 = tpu.memref_slice %arg3[%scan3A_61, %mul3A_2] : memref<56x4096xi32, #tpu.memory_space<hbm>> -> memref<1x128xi32, #tpu.memory_space<hbm>>
        %dma_wait3A_73 = tpu.memref_squeeze %dma_wait3A_72 : memref<1x128xi32, #tpu.memory_space<hbm>> -> memref<128xi32, #tpu.memory_space<hbm>>
        tpu.wait_dma2 semaphore(%run_scoped3A : memref<!tpu.dma_semaphore, #tpu.memory_space<semaphore_mem>>) src(%dma_wait3A_73 : memref<128xi32, #tpu.memory_space<hbm>>) dst(%arg5 : memref<128xi32, #tpu.memory_space<vmem>>)
        tpu.yield
      }) : () -> ()
      %dma_start3A = arith.constant 0 : i32
      %dma_start3A_62 = arith.constant 0 : i32
      %dma_start3A_63 = tpu.memref_slice %arg2[%dma_start3A, %dma_start3A_62] : memref<100000x64xf32, #tpu.memory_space<hbm>> -> memref<100000x64xf32, #tpu.memory_space<hbm>>
      tpu.enqueue_indirect_dma source(%dma_start3A_63 : memref<100000x64xf32, #tpu.memory_space<hbm>>) target(%arg6 : memref<128x64xf32, #tpu.memory_space<vmem>>) offsets(%arg5 : memref<128xi32, #tpu.memory_space<vmem>>) semaphore(%arg7 : memref<!tpu.dma_semaphore, #tpu.memory_space<semaphore_mem>>)
      %dma_wait3A = arith.constant 0 : i32
      %dma_wait3A_64 = arith.constant 0 : i32
      %dma_wait3A_65 = tpu.memref_slice %arg2[%dma_wait3A, %dma_wait3A_64] : memref<100000x64xf32, #tpu.memory_space<hbm>> -> memref<100000x64xf32, #tpu.memory_space<hbm>>
      tpu.wait_indirect_dma semaphore(%arg7 : memref<!tpu.dma_semaphore, #tpu.memory_space<semaphore_mem>>) src(%dma_wait3A_65 : memref<100000x64xf32, #tpu.memory_space<hbm>>) dst(%arg6 : memref<128x64xf32, #tpu.memory_space<vmem>>)
      "tpu.region"() ({
        %run_scoped3A = tpu.sem_alloc : memref<!tpu.dma_semaphore, #tpu.memory_space<semaphore_mem>>
        %dma_start3A_66 = tpu.memref_slice %arg4[%scan3A_61, %add3A_56, %select_n3A_37] : memref<50x2048x128xf32, #tpu.memory_space<hbm>> -> memref<1x128x64xf32, #tpu.memory_space<hbm>>
        %dma_start3A_67 = tpu.memref_squeeze %dma_start3A_66 : memref<1x128x64xf32, #tpu.memory_space<hbm>> -> memref<128x64xf32, #tpu.memory_space<hbm>>
        %dma_start3A_68 = tpu.memref_slice %arg4[%scan3A_61, %add3A_56, %select_n3A_37] : memref<50x2048x128xf32, #tpu.memory_space<hbm>> -> memref<1x128x64xf32, #tpu.memory_space<hbm>>
        %dma_start3A_69 = tpu.memref_squeeze %dma_start3A_68 : memref<1x128x64xf32, #tpu.memory_space<hbm>> -> memref<128x64xf32, #tpu.memory_space<hbm>>
        tpu.enqueue_dma source(%arg6 : memref<128x64xf32, #tpu.memory_space<vmem>>) target(%dma_start3A_69 : memref<128x64xf32, #tpu.memory_space<hbm>>) target_semaphore(%run_scoped3A : memref<!tpu.dma_semaphore, #tpu.memory_space<semaphore_mem>>)
        %dma_wait3A_70 = tpu.memref_slice %arg4[%scan3A_61, %add3A_56, %select_n3A_37] : memref<50x2048x128xf32, #tpu.memory_space<hbm>> -> memref<1x128x64xf32, #tpu.memory_space<hbm>>
        %dma_wait3A_71 = tpu.memref_squeeze %dma_wait3A_70 : memref<1x128x64xf32, #tpu.memory_space<hbm>> -> memref<128x64xf32, #tpu.memory_space<hbm>>
        %dma_wait3A_72 = tpu.memref_slice %arg4[%scan3A_61, %add3A_56, %select_n3A_37] : memref<50x2048x128xf32, #tpu.memory_space<hbm>> -> memref<1x128x64xf32, #tpu.memory_space<hbm>>
        %dma_wait3A_73 = tpu.memref_squeeze %dma_wait3A_72 : memref<1x128x64xf32, #tpu.memory_space<hbm>> -> memref<128x64xf32, #tpu.memory_space<hbm>>
        tpu.wait_dma2 semaphore(%run_scoped3A : memref<!tpu.dma_semaphore, #tpu.memory_space<semaphore_mem>>) src(%arg6 : memref<128x64xf32, #tpu.memory_space<vmem>>) dst(%dma_wait3A_73 : memref<128x64xf32, #tpu.memory_space<hbm>>)
        tpu.yield
      }) : () -> ()
    }
    %scan3A_60 = arith.constant 50 : i32
    return
  }
}

module attributes {stable_mosaic.version = 14 : i64} {
  func.func @_mlp_body(%arg0: i32, %arg1: i32, %arg2: memref<1x240x4096xf32, #tpu.memory_space<vmem>>, %arg3: memref<256x240xbf16, #tpu.memory_space<vmem>>, %arg4: memref<256x1xf32, #tpu.memory_space<vmem>>, %arg5: memref<128x256xbf16, #tpu.memory_space<vmem>>, %arg6: memref<128x1xf32, #tpu.memory_space<vmem>>, %arg7: memref<1x128x4096xf32, #tpu.memory_space<vmem>>) attributes {dimension_semantics = [#tpu.dimension_semantics<arbitrary>, #tpu.dimension_semantics<arbitrary>], iteration_bounds = array<i64: 50, 1>, scalar_prefetch = 0 : i64, scratch_operands = 0 : i64, tpu.core_type = #tpu.core_type<tc>, window_params = [{transform_indices = @transform_0, window_bounds = array<i64: 1, 240, 4096>}, {pipeline_mode = #tpu.pipeline_mode<synchronous>, transform_indices = @transform_1, window_bounds = array<i64: 256, 240>}, {pipeline_mode = #tpu.pipeline_mode<synchronous>, transform_indices = @transform_2, window_bounds = array<i64: 256, 1>}, {pipeline_mode = #tpu.pipeline_mode<synchronous>, transform_indices = @transform_3, window_bounds = array<i64: 128, 256>}, {pipeline_mode = #tpu.pipeline_mode<synchronous>, transform_indices = @transform_4, window_bounds = array<i64: 128, 1>}, {transform_indices = @transform_5, window_bounds = array<i64: 1, 128, 4096>}]} {
    %get3A = arith.constant 0 : index
    %get3A_0 = arith.constant 0 : index
    %get3A_1 = arith.constant 0 : index
    %get3A_2 = vector.load %arg2[%get3A, %get3A_0, %get3A_1] : memref<1x240x4096xf32, #tpu.memory_space<vmem>>, vector<1x240x4096xf32>
    %get3A_3 = vector.shape_cast %get3A_2 : vector<1x240x4096xf32> to vector<240x4096xf32>
    %convert_element_type3A = arith.truncf %get3A_3 : vector<240x4096xf32> to vector<240x4096xbf16>
    %get3A_4 = arith.constant 0 : index
    %get3A_5 = arith.constant 0 : index
    %get3A_6 = vector.load %arg3[%get3A_4, %get3A_5] : memref<256x240xbf16, #tpu.memory_space<vmem>>, vector<256x240xbf16>
    %dot_general3A = arith.constant dense<0.000000e+00> : vector<256x4096xf32>
    %dot_general3A_7 = tpu.matmul %get3A_6, %convert_element_type3A, %dot_general3A {dimension_numbers = #tpu.dot_dimension_numbers<[1], [0], [0], [1], [0, 0, 1, 1], [], []>, transpose_lhs_hint = false} : vector<256x240xbf16>, vector<240x4096xbf16>, vector<256x4096xf32> -> vector<256x4096xf32>
    %get3A_8 = arith.constant 0 : index
    %get3A_9 = arith.constant 0 : index
    %get3A_10 = vector.load %arg4[%get3A_8, %get3A_9] : memref<256x1xf32, #tpu.memory_space<vmem>>, vector<256x1xf32>
    %add3A = vector.broadcast %get3A_10 : vector<256x1xf32> to vector<256x4096xf32>
    %add3A_11 = arith.addf %dot_general3A_7, %add3A : vector<256x4096xf32>
    %logistic3A = arith.negf %add3A_11 : vector<256x4096xf32>
    %logistic3A_12 = math.exp %logistic3A : vector<256x4096xf32>
    %logistic3A_13 = arith.constant 1.000000e+00 : f32
    %logistic3A_14 = vector.broadcast %logistic3A_13 : f32 to vector<256x4096xf32>
    %logistic3A_15 = arith.addf %logistic3A_14, %logistic3A_12 : vector<256x4096xf32>
    %logistic3A_16 = arith.divf %logistic3A_14, %logistic3A_15 : vector<256x4096xf32>
    %mul3A = arith.mulf %add3A_11, %logistic3A_16 : vector<256x4096xf32>
    %get3A_17 = arith.constant 0 : index
    %get3A_18 = arith.constant 0 : index
    %get3A_19 = vector.load %arg5[%get3A_17, %get3A_18] : memref<128x256xbf16, #tpu.memory_space<vmem>>, vector<128x256xbf16>
    %convert_element_type3A_20 = arith.truncf %mul3A : vector<256x4096xf32> to vector<256x4096xbf16>
    %dot_general3A_21 = arith.constant dense<0.000000e+00> : vector<128x4096xf32>
    %dot_general3A_22 = tpu.matmul %get3A_19, %convert_element_type3A_20, %dot_general3A_21 {dimension_numbers = #tpu.dot_dimension_numbers<[1], [0], [0], [1], [0, 0, 1, 1], [], []>, transpose_lhs_hint = false} : vector<128x256xbf16>, vector<256x4096xbf16>, vector<128x4096xf32> -> vector<128x4096xf32>
    %get3A_23 = arith.constant 0 : index
    %get3A_24 = arith.constant 0 : index
    %get3A_25 = vector.load %arg6[%get3A_23, %get3A_24] : memref<128x1xf32, #tpu.memory_space<vmem>>, vector<128x1xf32>
    %add3A_26 = vector.broadcast %get3A_25 : vector<128x1xf32> to vector<128x4096xf32>
    %add3A_27 = arith.addf %dot_general3A_22, %add3A_26 : vector<128x4096xf32>
    %swap3A = arith.constant 0 : index
    %swap3A_28 = arith.constant 0 : index
    %swap3A_29 = arith.constant 0 : index
    %swap3A_30 = vector.load %arg7[%swap3A, %swap3A_28, %swap3A_29] : memref<1x128x4096xf32, #tpu.memory_space<vmem>>, vector<1x128x4096xf32>
    %swap3A_31 = vector.shape_cast %swap3A_30 : vector<1x128x4096xf32> to vector<128x4096xf32>
    %swap3A_32 = vector.shape_cast %add3A_27 : vector<128x4096xf32> to vector<1x128x4096xf32>
    tpu.vector_store %arg7[%swap3A, %swap3A_28, %swap3A_29], %swap3A_32 {strides = array<i32>} : memref<1x128x4096xf32, #tpu.memory_space<vmem>>, vector<1x128x4096xf32>,
    return
  }
  func.func @transform_0(%arg0: i32, %arg1: i32) -> (i32, i32, i32) {
    %c0_i32 = arith.constant 0 : i32
    %c0_i32_0 = arith.constant 0 : i32
    return %arg0, %c0_i32, %arg1 : i32, i32, i32
  }
  func.func @transform_1(%arg0: i32, %arg1: i32) -> (i32, i32) {
    %c0_i32 = arith.constant 0 : i32
    %c0_i32_0 = arith.constant 0 : i32
    %c0_i32_1 = arith.constant 0 : i32
    return %c0_i32, %c0_i32_0 : i32, i32
  }
  func.func @transform_2(%arg0: i32, %arg1: i32) -> (i32, i32) {
    %c0_i32 = arith.constant 0 : i32
    %c0_i32_0 = arith.constant 0 : i32
    %c0_i32_1 = arith.constant 0 : i32
    return %c0_i32, %c0_i32_0 : i32, i32
  }
  func.func @transform_3(%arg0: i32, %arg1: i32) -> (i32, i32) {
    %c0_i32 = arith.constant 0 : i32
    %c0_i32_0 = arith.constant 0 : i32
    %c0_i32_1 = arith.constant 0 : i32
    return %c0_i32, %c0_i32_0 : i32, i32
  }
  func.func @transform_4(%arg0: i32, %arg1: i32) -> (i32, i32) {
    %c0_i32 = arith.constant 0 : i32
    %c0_i32_0 = arith.constant 0 : i32
    %c0_i32_1 = arith.constant 0 : i32
    return %c0_i32, %c0_i32_0 : i32, i32
  }
  func.func @transform_5(%arg0: i32, %arg1: i32) -> (i32, i32, i32) {
    %c0_i32 = arith.constant 0 : i32
    %c0_i32_0 = arith.constant 0 : i32
    return %arg0, %c0_i32, %arg1 : i32, i32, i32
  }
}

module attributes {stable_mosaic.version = 14 : i64} {
  func.func @_node_body(%arg0: i32, %arg1: i32, %arg2: memref<1x2048x128xf32, #tpu.memory_space<vmem>>, %arg3: memref<50x192x4096xf32, #tpu.memory_space<any>>, %arg4: memref<1x64x4096xf32, #tpu.memory_space<vmem>>) attributes {dimension_semantics = [#tpu.dimension_semantics<arbitrary>, #tpu.dimension_semantics<arbitrary>], iteration_bounds = array<i64: 50, 1>, scalar_prefetch = 0 : i64, scratch_operands = 0 : i64, tpu.core_type = #tpu.core_type<tc>, window_params = [{transform_indices = @transform_0, window_bounds = array<i64: 1, 2048, 128>}, {}, {transform_indices = @transform_2, window_bounds = array<i64: 1, 64, 4096>}]} {
    %get3A = arith.constant 0 : index
    %get3A_0 = arith.constant 0 : index
    %get3A_1 = arith.constant 0 : index
    %get3A_2 = vector.load %arg2[%get3A, %get3A_0, %get3A_1] : memref<1x2048x128xf32, #tpu.memory_space<vmem>>, vector<1x2048x128xf32>
    %get3A_3 = vector.shape_cast %get3A_2 : vector<1x2048x128xf32> to vector<2048x128xf32>
    %transpose3A = tpu.transpose %get3A_3, [1, 0] : vector<2048x128xf32> -> vector<128x2048xf32>
    %slice3A = vector.extract_strided_slice %transpose3A {offsets = [0, 0], sizes = [64, 2048], strides = [1, 1]} : vector<128x2048xf32> to vector<64x2048xf32>
    %slice3A_4 = vector.extract_strided_slice %transpose3A {offsets = [64, 0], sizes = [64, 2048], strides = [1, 1]} : vector<128x2048xf32> to vector<64x2048xf32>
    %concatenate3A = tpu.concatenate %slice3A, %slice3A_4 in 1 : vector<64x2048xf32>, vector<64x2048xf32> -> vector<64x4096xf32>
    %swap3A = arith.constant 0 : index
    %swap3A_5 = arith.constant 0 : index
    %swap3A_6 = arith.constant 0 : index
    %swap3A_7 = vector.load %arg4[%swap3A, %swap3A_5, %swap3A_6] : memref<1x64x4096xf32, #tpu.memory_space<vmem>>, vector<1x64x4096xf32>
    %swap3A_8 = vector.shape_cast %swap3A_7 : vector<1x64x4096xf32> to vector<64x4096xf32>
    %swap3A_9 = vector.shape_cast %concatenate3A : vector<64x4096xf32> to vector<1x64x4096xf32>
    tpu.vector_store %arg4[%swap3A, %swap3A_5, %swap3A_6], %swap3A_9 {strides = array<i32>} : memref<1x64x4096xf32, #tpu.memory_space<vmem>>, vector<1x64x4096xf32>,
    return
  }
  func.func @transform_0(%arg0: i32, %arg1: i32) -> (i32, i32, i32) {
    %c0_i32 = arith.constant 0 : i32
    %c0_i32_0 = arith.constant 0 : i32
    return %arg0, %arg1, %c0_i32 : i32, i32, i32
  }
  func.func @transform_2(%arg0: i32, %arg1: i32) -> (i32, i32, i32) {
    %c2_i32 = arith.constant 2 : i32
    %c0_i32 = arith.constant 0 : i32
    return %arg0, %c2_i32, %arg1 : i32, i32, i32
  }
}

</mosaic_0001>

<sc_bundles>
// kernel: kernel.5.cloned.1.call-start
scs
__scs_entry_jumppad:
0x0: {  	(pc) =	sbr.rel $0x88, $3  }
0x1: {  	(tag) =	ssettag $0x0;
	lr =	simm.s32 $0x1  }
0x2: {  	[smem:$0x3F9A] =	sst lr;
	_ =	strace $0xD0000000  }
0x3: {  	_ = 	snop  }
0x4: {  	_ = 	snop  }
0x5: {  	_ = 	snop  }
0x6: {  	_ = 	snop  }
0x7: {  	_ = 	snop  }
__scs_overlays_trampoline_lowered:
0x8: {  	[smem:$0x3FA9] =	sst s0  }
0x9: {  	[smem:$0x3FAA] =	sst s1  }
0xa: {  	[smem:$0x3FAB] =	sst s2  }
0xb: {  	[smem:$0x3FAC] =	sst s3  }
0xc: {  	[smem:$0x3FAD] =	sst s4  }
0xd: {  	[smem:$0x3FAE] =	sst s5  }
0xe: {  	[smem:$0x3FAF] =	sst s6  }
0xf: {  	[smem:$0x3FB0] =	sst s7  }
0x10: {  	[smem:$0x3FB1] =	sst s8  }
0x11: {  	[smem:$0x3FB2] =	sst s9;
	s0 =	simm.s32 @!p0 $0x0  }
0x12: {  	s1 =	sld [smem:$0x3F98];
	s0 =	simm.s32 @p0 $0x1  }
0x13: {  	[smem:$0x3FB3] =	sst s0;
	s0 =	simm.s32 @!p1 $0x0  }
0x14: {  	s2 =	sld [smem:$0x3F97];
	s0 =	simm.s32 @p1 $0x1  }
0x15: {  	[smem:$0x3FB4] =	sst s0;
	s0 =	simm.s32 @!p2 $0x0  }
0x16: {  	s3 =	sld [smem:$0x3FDB];
	s0 =	simm.s32 @p2 $0x1  }
0x17: {  	s4 =	simm.s32 $0x1BF5;
	[smem:$0x3FB6] =	sst s0  }
0x18: {  	s0 =	sld [smem:$0x3F99];
	_ =	swait.ge [sflag:s4], $0x0  }
0x19: {  	s7 =	sld [smem:$0x3F9A]  }
0x1a: {  	s8 =	sadd.s32 $0xFFFFE003, lr  }
0x1b: {  	s9 =	sadd.s32 $0xFFFFFEF7, lr;
	s5 =	simm.s32 $0xFFFFFFFF;
	p2 =	slt.u32 s8, $0xFFFFF086  }
0x1c: {  	p1 =	slt.u32 s9, $0xF7A;
	s5 =	simm.s32 @!p2 $0x0  }
0x1d: {  	s5 =	simm.s32 @p1 $0x1;
	p0 =	seq.s32 s7, s2  }
0x1e: {  	s7 =	smul.u32 @!p0 $0xF7A, s2;
	p2 =	seq.s32 @!p0 s5, $0x0  }
0x1f: {  	s9 =	smul.u32 $0xF7A, s1;
	s8 =	simm.s32 @!p0 $0x1BF5;
	p2 =	por !p2, p0  }
0x20: {  	[sflag:s8] =	ssyncset.s32 @!p0 $0xFFFFF086;
	s6 =	sadd.s32 @!p0 s3, s7;
	s7 =	simm.s32 @!p0 $0x108  }
0x21: {  	s3 =	sadd.s32 s3, s9;
	s6 =	sadd.s32 @!p0 $0x88, s6;
	s7 =	simm.s32 @p2 $0x1082  }
0x22: {  	[simem:s7], [sflag:s8] =	dma.local @!p0 [hbm:s6], $0xF7A  }
0x23: {  	s9 =	sor.u32 $0xD0000000, s2;
	s6 =	simm.s32 $0x108;
	_ =	swait.ge @!p0 [sflag:s8], $0x0  }
0x24: {  	s3 =	sadd.s32 $0x88, s3;
	s6 =	simm.s32 @!p1 $0x1082;
	[sflag:s4] =	ssyncset.s32 $0xFFFFF086  }
0x25: {  	[simem:s6], [sflag:s4] =	dma.local [hbm:s3], $0xF7A  }
0x26: {  	[smem:$0x3F9A] =	sst s1;
	(tag) =	ssettag s2;
	_ =	strace s9  }
0x27: {  	s1 =	sld [smem:$0x3FAA]  }
0x28: {  	s2 =	sld [smem:$0x3FAB]  }
0x29: {  	s4 =	sld [smem:$0x3FAD]  }
0x2a: {  	p0 =	seq.s32 s5, $0x0;
	s5 =	sld [smem:$0x3FAE]  }
0x2b: {  	s6 =	sld [smem:$0x3FAF]  }
0x2c: {  	s7 =	sld [smem:$0x3FB0]  }
0x2d: {  	s3 =	simm.s32 $0x108;
	s8 =	sld [smem:$0x3FB1]  }
0x2e: {  	s3 =	simm.s32 @!p0 $0x1082;
	s9 =	sld [smem:$0x3FB2]  }
0x2f: {  	lr =	sadd.s32 s0, s3;
	s0 =	sld [smem:$0x3FA9]  }
0x30: {  	s3 =	sld [smem:$0x3FAC]  }
0x31: {  	[smem:$0x3FB5] =	sst s10  }
0x32: {  	s10 =	sld [smem:$0x3FB3];
	_ =	sdelay $0x3  }
0x33: {  	p0 =	seq.s32 s10, $0x1;
	s10 =	sld [smem:$0x3FB5];
	_ =	sdelay $0x3  }
0x34: {  	[smem:$0x3FB5] =	sst s10  }
0x35: {  	s10 =	sld [smem:$0x3FB4];
	_ =	sdelay $0x3  }
0x36: {  	p1 =	seq.s32 s10, $0x1;
	s10 =	sld [smem:$0x3FB5];
	_ =	sdelay $0x3  }
0x37: {  	[smem:$0x3FB5] =	sst s10  }
0x38: {  	s10 =	sld [smem:$0x3FB6]  }
0x39: {  	_ = 	snop;
	(pc) =	sbr.ind lr, $3  }
0x3a: {  	_ = 	snop  }
0x3b: {  	_ = 	snop  }
0x3c: {  	p2 =	seq.s32 s10, $0x1;
	s10 =	sld [smem:$0x3FB5]  }
0x3d: {  	_ =	shalt  }
0x3e: {  	_ =	shalt  }
0x3f: {  	_ =	shalt  }
0x40: {  	_ =	shalt  }
0x41: {  	_ =	shalt  }
0x42: {  	_ =	shalt  }
0x43: {  	_ =	shalt  }
0x44: {  	_ =	shalt  }
0x45: {  	_ =	shalt  }
0x46: {  	_ =	shalt  }
0x47: {  	_ =	shalt  }
0x48: {  	_ =	shalt  }
0x49: {  	_ =	shalt  }
0x4a: {  	_ =	shalt  }
0x4b: {  	_ =	shalt  }
0x4c: {  	_ =	shalt  }
0x4d: {  	_ =	shalt  }
0x4e: {  	_ =	shalt  }
0x4f: {  	_ =	shalt  }
0x50: {  	_ =	shalt  }
0x51: {  	_ =	shalt  }
0x52: {  	_ =	shalt  }
0x53: {  	_ =	shalt  }
0x54: {  	_ =	shalt  }
0x55: {  	_ =	shalt  }
0x56: {  	_ =	shalt  }
0x57: {  	_ =	shalt  }
0x58: {  	_ =	shalt  }
0x59: {  	_ =	shalt  }
0x5a: {  	_ =	shalt  }
0x5b: {  	_ =	shalt  }
0x5c: {  	_ =	shalt  }
0x5d: {  	_ =	shalt  }
0x5e: {  	_ =	shalt  }
0x5f: {  	_ =	shalt  }
0x60: {  	_ =	shalt  }
0x61: {  	_ =	shalt  }
0x62: {  	_ =	shalt  }
0x63: {  	_ =	shalt  }
0x64: {  	_ =	shalt  }
0x65: {  	_ =	shalt  }
0x66: {  	_ =	shalt  }
0x67: {  	_ =	shalt  }
0x68: {  	_ =	shalt  }
0x69: {  	_ =	shalt  }
0x6a: {  	_ =	shalt  }
0x6b: {  	_ =	shalt  }
0x6c: {  	_ =	shalt  }
0x6d: {  	_ =	shalt  }
0x6e: {  	_ =	shalt  }
0x6f: {  	_ =	shalt  }
0x70: {  	_ =	shalt  }
0x71: {  	_ =	shalt  }
0x72: {  	_ =	shalt  }
0x73: {  	_ =	shalt  }
0x74: {  	_ =	shalt  }
0x75: {  	_ =	shalt  }
0x76: {  	_ =	shalt  }
0x77: {  	_ =	shalt  }
0x78: {  	_ =	shalt  }
0x79: {  	_ =	shalt  }
0x7a: {  	_ =	shalt  }
0x7b: {  	_ =	shalt  }
0x7c: {  	_ =	shalt  }
0x7d: {  	_ =	shalt  }
0x7e: {  	_ =	shalt  }
0x7f: {  	_ =	shalt  }
0x80: {  	_ =	shalt  }
0x81: {  	_ =	shalt  }
0x82: {  	_ =	shalt  }
0x83: {  	_ =	shalt  }
0x84: {  	_ =	shalt  }
0x85: {  	_ =	shalt  }
0x86: {  	_ =	shalt  }
0x87: {  	_ =	shalt  }
.Lfunc_end0:
.L_simem_size_0:
called_computation_lowered:
.L_overlay_start_0:
0x88: {  	s2 =	sld [smem:$0x3FD9]  }
0x89: {  	s3 =	sld [smem:$0x3FFE];
	_ =	sdelay $0x1  }
0x8a: {  	s1 =	srdreg.scid  }
0x8b: {  	s0 =	sand.u32 $0x1, s1  }
0x8c: {  	s16 =	sshll.u32 s0, $0xA;
	s2 =	sadd.s32 s3, s2  }
0x8d: {  	s2 =	sadd.s32 s2, s16  }
0x8e: {  	[smem:$0x3FC1] =	sst s2  }
0x8f: {  	_ = 	snop  }
0x90: {  	(tm) =	ssettm $0x1  }
0x91: {  	s17 =	sld [smem:$0x3FFB];
	_ =	sdelay $0x3  }
0x92: {  	_ =	strace s17  }
0x93: {  	s2 =	sld [smem:$0x3FFC];
	_ =	sdelay $0x3  }
0x94: {  	_ =	strace s2  }
0x95: {  	s2 =	sld [smem:$0x3FFD];
	_ =	sdelay $0x3  }
0x96: {  	_ =	strace s2  }
0x97: {  	_ =	strace $0x8FFFFFFF  }
0x98: {  	s18 =	sld [smem:$0x3FDB];
	_ =	sdelay $0x1  }
0x99: {  	s19 =	simm.s32 $_scs_section_size  }
0x9a: {  	s4 =	simm.s32 $_size__tile_overlayer_lowered;
	s5 =	simm.s32 $_tile_overlayer_lowered  }
0x9b: {  	s22 =	simm.s32 $0x1BFF;
	s21 =	sshll.u32 s5, $0x1;
	s2 =	sadd.s32 s19, s18  }
0x9c: {  	s6 =	simm.s32 $0x0;
	s20 =	sshll.u32 s4, $0x1;
	s4 =	sadd.s32 s21, s2  }
0x9d: {  	[timem:s6], [sflag:s22] =	dma.local [hbm:s4], s20  }
0x9e: {  	_ =	swait.ge [sflag:s22], s20  }
0x9f: {  	s3 =	ssub.s32 $0x0, s20;
	[sflag:s22] =	ssyncset.done $0x0  }
0xa0: {  	[sflag:s22] =	ssyncadd.s32 s3;
	_ =	sdelay $0x1  }
0xa1: {  	s23 =	simm.s32 $0x1B8B  }
0xa2: {  	_ =	swait.ge [sflag:s23], $0x1  }
0xa3: {  	[sflag:s23] =	ssyncset.done $0x0  }
0xa4: {  	s25 =	simm.s32 $0x1B8E;
	s24 =	sld [smem:$0x3FFE];
	[sflag:s23] =	ssyncadd.s32 $0xFFFFFFFF  }
0xa5: {  	s26 =	simm.s32 $execute0_lowered;
	[smem:$0x3FD2] =	sst s25  }
0xa6: {  	s4 =	sshll.u32 s26, $0x1;
	_ =	strace $0x80000046;
	[dreg:$0x1] =	wrdreg $0xFFFFFFFF  }
0xa7: {  	s28 =	simm.s32 $_size_execute0_lowered;
	s2 =	sadd.s32 s2, s4;
	[dreg:$0x0] =	wrdreg $0x0  }
0xa8: {  	s4 =	sshll.u32 s28, $0x1;
	[dreg:$0x2] =	wrdreg s2  }
0xa9: {  	[dreg:$0x3] =	wrdreg s4  }
0xaa: {  	[dreg:$0x4] =	wrdreg $0xC0  }
0xab: {  	_ =	task [dreg:s6], $0x5FFFF  }
0xac: {  	[dreg:$0x1] =	wrdreg $0xFFFFFFFF  }
0xad: {  	[dreg:$0x0] =	wrdreg $0x60  }
0xae: {  	[dreg:$0x2] =	wrdreg s24  }
0xaf: {  	[dreg:$0x3] =	wrdreg $0x9  }
0xb0: {  	_ =	task.clear_ibuf [dreg:s6], $0x4FFFF;
	_ =	strace $0x90000046  }
0xb1: {  	s29 =	simm.s32 $0x9;
	_ =	strace $0x80000048  }
0xb2: {  	_ =	swait.ge [sflag:s29], $0x1  }
0xb3: {  	[sflag:s29] =	ssyncadd.s32 $0xFFFFFFFF  }
0xb4: {  	_ =	strace $0x90000048  }
0xb5: {  	_ =	sfence  }
0xb6: {  	s30 =	sld [smem:$0x0];
	_ =	sdelay $0x2  }
0xb7: {  	s31 =	sshll.u32 s1, $0xD;
	s1 =	sshrl.u32 s1, $0x2  }
0xb8: {  	s3 =	sand.u32 $0x4000, s31;
	s1 =	sadd.s32 s1, s30  }
0xb9: {  	s0 =	sor.u32 s3, s0;
	s1 =	sshll.u32 s1, $0x11  }
0xba: {  	s0 =	sor.u32 s1, s0  }
0xbb: {  	s0 =	sadd.s32 $0x8F2B, s0  }
0xbc: {  	[sflag:s0] =	ssyncadd.remote.s32 $0x1  }
0xbd: {  	_ =	sfence.sel $0xFFFF  }
0xbe: {  	[dreg:$0x0] =	wrdreg $0xFFFFFFFF;
	(pc) =	sbr.abs _section_cstart, $3  }
0xbf: {  	[dreg:$0x1] =	wrdreg $0xFFFFFFFF  }
0xc0: {  	_ =	task.clear_ibuf [dreg:s6], $0x2FFFF;
	_ =	strace $0x9FFFFFFF  }
0xc1: {  	(tm) =	ssettm $0x7FFFFFFF  }
tec
execute0_lowered:
.L_overlay_start_1:
0x0: {  	(tag) =	ssettag $0x1  }
0x1: {  	s4 =	rddreg [dreg:$0x0]  }
0x2: {  	s0 =	rddreg [dreg:$0x1]  }
0x3: {  	s2 =	simm.s32 $0x0;
	s3 =	srdreg.scid;
	s1 =	stileid.u32  }
0x4: {  	s10 =	simm.s32 $0x40;
	s11 =	simm.s32 $0x0;
	[smem:$0x7FF] =	sst s2  }
0x5: {  	s5 =	sand.u32 $0x1, s3;
	s3 =	sadd.s32 $0x7C00, s4;
	s6 =	sshll.u32 s1, $0xC  }
0x6: {  	s8 =	sshll.u32 s1, $0x8;
	s31 =	sand.u32 $0x8, s1;
	_ =	strace $0x80000047  }
0x7: {  	s7 =	sshll.u32 s5, $0xB;
	s9 =	sshll.u32 s5, $0x7;
	s5 =	ssub.s32 $0x2, s5  }
0x8: {  	s6 =	sor.u32 s7, s6;
	s29 =	sor.u32 s9, s8;
	s30 =	sshrl.u32 s5, $0x1  }
0x9: {  	s8 =	simm.s32 $0x80;
	s9 =	simm.s32 $0x1;
	s6 =	sand.u32 $0x7800, s6  }
0xa: {  	s7 =	sshrl.u32 s29, $0x3;
	s5 =	ssub.s32 s5, s30;
	s6 =	sadd.s32 s6, s4  }
0xb: {  	s7 =	sadd.s32 s7, s4;
	s4 =	smax.u32 s5, $0x1;
	s6 =	sadd.s32 s31, s6  }
0xc: {  	s5 =	sadd.s32 $0xCB200, s6;
	s6 =	sadd.s32 $0xC00, s7;
	s7 =	simm.s32 $0x2  }
.LBB2_1:
0xd: {  	s12 =	sadd.s32 $0x0, s6  }
0xe: {  	[tilespmem:s2], [sflag:$0x2] =	stream.linear.gather [hbm4b:s12+s2], $0x80, $0x38;
	[tilespmem:$0x2080] =	vst v63  }
0xf: {  	_ =	swait.ge [sflag:s7], $0x80  }
0x10: {  	[sflag:s7] =	ssyncset.done $0x0  }
0x11: {  	[sflag:s7] =	ssyncadd.s32 $0xFFFFFF80  }
0x12: {  	[tilespmem:s8], [sflag:$0x1] =	stream.indirect.gather [hbm4b:s3+s8], $0x40, s2, s8, $0xb8;
	[tilespmem:$0x2080] =	vst v63  }
0x13: {  	_ =	swait.ge [sflag:s9], $0x2000  }
0x14: {  	[sflag:s9] =	ssyncset.done $0x0  }
0x15: {  	[sflag:s9] =	ssyncadd.s32 $0xFFFFE000  }
0x16: {  	[hbm4b:s5+s10] =	stream.strided.scatter [tilespmem:s8], [sflag:$0x2], $0x2000, s8, s10, $0x38;
	[tilespmem:$0x2080] =	vst v63  }
0x17: {  	s13 =	simm.s32 $0x200;
	_ =	swait.ge [sflag:s7], $0x2000  }
0x18: {  	s14 =	simm.s32 $0x400;
	s12 =	sadd.s32 $0x8000, s5;
	[sflag:s7] =	ssyncset.done $0x0  }
.LBB2_2:
0x19: {  	s15 =	sadd.s32 s13, s6  }
0x1a: {  	[sflag:s7] =	ssyncadd.s32 $0xFFFFE000;
	s13 =	smov.u32 s14;
	s16 =	sadd.s32 $0x200, s14  }
0x1b: {  	[tilespmem:s2], [sflag:$0x2] =	stream.linear.gather [hbm4b:s15+s2], $0x80, $0x38;
	[tilespmem:$0x2080] =	vst v63  }
0x1c: {  	p0 =	sne.s32 s14, $0x6200;
	_ =	swait.ge [sflag:s7], $0x80  }
0x1d: {  	[sflag:s7] =	ssyncset.done $0x0  }
0x1e: {  	[sflag:s7] =	ssyncadd.s32 $0xFFFFFF80  }
0x1f: {  	[tilespmem:s8], [sflag:$0x1] =	stream.indirect.gather [hbm4b:s3+s8], $0x40, s2, s8, $0xb8;
	[tilespmem:$0x2080] =	vst v63  }
0x20: {  	_ =	swait.ge [sflag:s9], $0x2000  }
.Ltmp0:
0x21: {  	[sflag:s9] =	ssyncset.done $0x0;
	(pc) =	sbr.rel @p0 .LBB2_2-.Ltmp0, $4  }
0x22: {  	[sflag:s9] =	ssyncadd.s32 $0xFFFFE000  }
0x23: {  	[hbm4b:s12+s10] =	stream.strided.scatter [tilespmem:s8], [sflag:$0x2], $0x2000, s8, s10, $0x38;
	[tilespmem:$0x2080] =	vst v63  }
0x24: {  	_ =	swait.ge [sflag:s7], $0x2000  }
0x25: {  	s14 =	smov.u32 s16;
	s12 =	sadd.s32 $0x8000, s12;
	[sflag:s7] =	ssyncset.done $0x0  }
0x26: {  	s13 =	sadd.s32 s13, s6;
	[sflag:s7] =	ssyncadd.s32 $0xFFFFE000  }
0x27: {  	[tilespmem:s2], [sflag:$0x2] =	stream.linear.gather [hbm4b:s13+s2], $0x80, $0x38;
	[tilespmem:$0x2080] =	vst v63  }
0x28: {  	_ =	swait.ge [sflag:s7], $0x80  }
0x29: {  	[sflag:s7] =	ssyncset.done $0x0  }
0x2a: {  	[sflag:s7] =	ssyncadd.s32 $0xFFFFFF80  }
0x2b: {  	[tilespmem:s8], [sflag:$0x1] =	stream.indirect.gather [hbm4b:s3+s8], $0x40, s2, s8, $0xb8;
	[tilespmem:$0x2080] =	vst v63  }
0x2c: {  	s11 =	sadd.s32 $0x1, s11;
	_ =	swait.ge [sflag:s9], $0x2000  }
0x2d: {  	p0 =	sne.s32 s11, s4;
	[sflag:s9] =	ssyncset.done $0x0  }
.Ltmp1:
0x2e: {  	[sflag:s9] =	ssyncadd.s32 $0xFFFFE000;
	(pc) =	sbr.rel @p0 .LBB2_1-.Ltmp1, $4  }
0x2f: {  	[hbm4b:s12+s10] =	stream.strided.scatter [tilespmem:s8], [sflag:$0x2], $0x2000, s8, s10, $0x38;
	[tilespmem:$0x2080] =	vst v63  }
0x30: {  	_ =	swait.ge [sflag:s7], $0x2000  }
0x31: {  	[sflag:s7] =	ssyncset.done $0x0  }
0x32: {  	[sflag:s7] =	ssyncadd.s32 $0xFFFFE000  }
0x33: {  	_ =	sfence.sel $0x180000  }
0x34: {  	[bflag:$0x0] =	sbarrier.arrive $0xFFFF  }
0x35: {  	p0 =	sne.s32 s1, $0x0;
	_ =	strace $0x90000047  }
0x36: {  	s0 =	sadd.s32 @!p0 $0x100000, s0;
	[bflag:$0x2] =	sbarrier.arrive $0xFFFF  }
0x37: {  	[sflag:s0] =	ssyncadd.tile.s32 @!p0 $0x1;
	_ =	shalt  }
.Lfunc_end2:
_tile_overlayer_lowered:
.L_overlay_start_2:
0x38: {  	(tag) =	ssettag $0x2  }
0x39: {  	s0 =	rddreg [dreg:$0x0];
	s2 =	stileid.u32  }
0x3a: {  	s1 =	rddreg [dreg:$0x1];
	p0 =	sne.s32 s2, $0x0  }
0x3b: {  	s3 =	rddreg [dreg:$0x2];
	[bflag:$0x3] =	sbarrier.arrive $0xFFFF;
	s2 =	simm.s32 @!p0 $0x1C02  }
0x3c: {  	[timem:s3], [sflag:s2] =	dma.local @!p0 [hbm:s0], s1  }
0x3d: {  	s0 =	simm.s32 @!p0 $0x2  }
0x3e: {  	_ =	swait.ge @!p0 [sflag:s0], s1  }
0x3f: {  	s1 =	ssub.s32 @!p0 $0x0, s1;
	[sflag:s0] =	ssyncset.done @!p0 $0x0  }
0x40: {  	[sflag:s0] =	ssyncadd.s32 @!p0 s1  }
0x41: {  	[bflag:$0x3] =	sbarrier.arrive $0xFFFF  }
0x42: {  	_ =	shalt  }

</sc_bundles>
